<compile_context>
chip_gen: v7x
topology: tpu7x:2x2x1
jax: 0.10.2.dev20260603
libtpu: 0.0.44.dev20260713+nightly
codegen_flags: <defaults>
</compile_context>

<pallas_src>
import functools

import jax
import jax.numpy as jnp
from jax import lax
from jax.experimental import pallas as pl
from jax.experimental.pallas import tpu as pltpu
from jax.experimental.pallas import tpu_sc as plsc

B, N, V = 8, 4096, 1024
NC, NS, L = 2, 16, 16
WPB = 4
Q = N // WPB
CH = 256
NCHUNK = Q // CH


def _body(rows_hbm, idvec_hbm, out_hbm, idvec_v, vals0, vals1, loc_v, idx_v,
          acc_sm, out_sh, sem0, sem1, sem2):
    c = lax.axis_index("c")
    s = lax.axis_index("s")
    batch = c * (NS // WPB) + (s >> 2)
    bloc = s >> 2
    q = s & (WPB - 1)
    row_base = batch * N + q * Q

    acc_sm[0] = 0

    pltpu.sync_copy(idvec_hbm, idvec_v)
    idv = idvec_v[...]
    id_lane = idv & 127
    col0 = pl.multiple_of((idv[0] >> 7) << 7, 128)
    lane = lax.broadcasted_iota(jnp.int32, (L,), 0)
    zero = jnp.zeros((L,), jnp.int32)

    def src(k):
        return rows_hbm.at[pl.ds(row_base + k * CH, CH), pl.ds(col0, 128)]

    pltpu.async_copy(src(0), vals0, sem0)
    pltpu.async_copy(src(1), vals1, sem1)

    def zfill(j, carry):
        loc_v[pl.ds(j * L, L)] = zero
        return carry

    lax.fori_loop(0, Q // L, zfill, 0)

    def compact_chunk(vals_ref, k, cnt):
        def step(t, cnt):
            r = t * L + lane
            v = plsc.load_gather(vals_ref, [r, id_lane])
            m = v != 0.0
            csum = plsc.cumsum(m.astype(jnp.int32))
            pos = cnt + csum - 1
            plsc.store_scatter(loc_v, [pos], q * Q + k * CH + r, mask=m)
            return cnt + plsc.all_reduce_population_count(m)

        return lax.fori_loop(0, CH // L, step, cnt)

    def outer(g, cnt):
        k0 = 2 * g
        pltpu.make_async_copy(src(k0), vals0, sem0).wait()
        cnt = compact_chunk(vals0, k0, cnt)

        @pl.when(k0 + 2 < NCHUNK)
        def _():
            pltpu.async_copy(src(k0 + 2), vals0, sem0)

        k1 = 2 * g + 1
        pltpu.make_async_copy(src(k1), vals1, sem1).wait()
        cnt = compact_chunk(vals1, k1, cnt)

        @pl.when(k1 + 2 < NCHUNK)
        def _():
            pltpu.async_copy(src(k1 + 2), vals1, sem1)

        return cnt

    cnt = lax.fori_loop(0, NCHUNK // 2, outer, jnp.zeros((L,), jnp.int32))
    cnt_s = cnt[0]

    init = jnp.where(q == 0, 1, 0)

    def poll_cond(carry):
        v, i = carry
        return (v == 0) & (i < (1 << 20))

    def poll_body(carry):
        v, i = carry
        return plsc.fetch_and_add(acc_sm, 0, subcore_id=s), i + 1

    v, _ = lax.while_loop(poll_cond, poll_body, (init, jnp.int32(0)))
    prefix_s = v - 1

    @pl.when(q < WPB - 1)
    def _():
        plsc.fetch_and_add(acc_sm, prefix_s + cnt_s + 1, subcore_id=s + 1)

    spares = q * Q - prefix_s
    front0 = bloc * N + prefix_s
    tail0 = bloc * N + (N - 1) - spares + cnt

    def ifill(t, carry):
        jvec = t * L + lane
        idx_v[pl.ds(t * L, L)] = jnp.where(
            jvec < cnt, front0 + jvec, tail0 - jvec
        )
        return carry

    lax.fori_loop(0, Q // L, ifill, 0)
    pltpu.async_copy(loc_v, out_sh.at[idx_v], sem2).wait()
    plsc.subcore_barrier()

    @pl.when(q == 0)
    def _():
        pltpu.sync_copy(out_sh.at[pl.ds(bloc * N, N)], out_hbm.at[batch])


@functools.partial(
    pl.kernel,
    out_type=jax.ShapeDtypeStruct((B, N), jnp.int32),
    mesh=plsc.VectorSubcoreMesh(core_axis_name="c", subcore_axis_name="s"),
    scratch_types=[
        pltpu.VMEM((L,), jnp.int32),
        pltpu.VMEM((CH, 128), jnp.float32),
        pltpu.VMEM((CH, 128), jnp.float32),
        pltpu.VMEM((Q,), jnp.int32),
        pltpu.VMEM((Q,), jnp.int32),
        pltpu.SMEM((1,), jnp.int32),
        pltpu.VMEM_SHARED((N * NS // WPB,), jnp.int32),
        pltpu.SemaphoreType.DMA,
        pltpu.SemaphoreType.DMA,
        pltpu.SemaphoreType.DMA,
    ],
    compiler_params=pltpu.CompilerParams(needs_layout_passes=False),
)
def _filter_sc(rows_hbm, idvec_hbm, out_hbm, idvec_v, vals0, vals1, loc_v,
               idx_v, acc_sm, out_sh, sem0, sem1, sem2):
    _body(rows_hbm, idvec_hbm, out_hbm, idvec_v, vals0, vals1, loc_v, idx_v,
          acc_sm, out_sh, sem0, sem1, sem2)


def kernel(one_hot, id):
    rows = one_hot.reshape(B * N, V)
    idvec = jnp.full((L,), id, dtype=jnp.int32)
    return _filter_sc(rows, idvec)

# --- scband reference (transcript-rebuilt; emitter-appended) ---
"""Pipeline reference for scband-filter-model-19816979104211 (READ-ONLY COPY).

The authoritative reference and input builder live on the scoring server;
editing this copy changes nothing except your own understanding.
"""

import jax, jax.numpy as jnp
import numpy as np


def setup_inputs(seed: int = 0) -> dict:
    key = jax.random.key(seed)
    B, N, V = 8, 4096, 1024
    # 'ones' fill guarantees every row is selected, so torch.stack is well-defined
    # (all per-batch nonzero lists have identical length N).
    one_hot = jnp.ones((B, N, V), dtype=jnp.float32)
    return {"one_hot": one_hot, "id": 7}


def reference(one_hot, id):
    # Faithful translation of FilterModel.forward:
    # for each batch: zero column `id`, subtract to isolate that column,
    # take nonzero row indices of that column, stack across batch.
    indices = []
    B = one_hot.shape[0]
    N = one_hot.shape[1]
    for b in range(B):
        table = one_hot[b]
        table_cp = table.at[:, id].set(0.0)
        selected_block = table - table_cp
        sel = jnp.nonzero(selected_block[:, id], size=N)[0].reshape(-1)
        indices.append(sel)
    return jnp.stack(indices)

if __name__ == "__main__":
    import jax
    _d = setup_inputs()
    print(jax.jit(kernel)(*tuple(_d.values())))

</pallas_src>

<mosaic_0001>
#map = affine_map<(d0, d1) -> (0, 0)>
#map1 = affine_map<(d0, d1) -> (0)>
module attributes {stable_mosaic.version = 14 : i64} {
  func.func @_filter_sc(%arg0: i32, %arg1: i32, %arg2: memref<32768x1024xf32, #tpu.memory_space<hbm>>, %arg3: memref<16xi32, #tpu.memory_space<hbm>>, %arg4: memref<8x4096xi32, #tpu.memory_space<hbm>>, %arg5: memref<16xi32, #tpu.memory_space<vmem>>, %arg6: memref<256x128xf32, #tpu.memory_space<vmem>>, %arg7: memref<256x128xf32, #tpu.memory_space<vmem>>, %arg8: memref<1024xi32, #tpu.memory_space<vmem>>, %arg9: memref<1024xi32, #tpu.memory_space<vmem>>, %arg10: memref<1xi32, #tpu.memory_space<smem>>, %arg11: memref<16384xi32, #tpu.memory_space<vmem_shared>>, %arg12: memref<!tpu.dma_semaphore, #tpu.memory_space<semaphore_mem>>, %arg13: memref<!tpu.dma_semaphore, #tpu.memory_space<semaphore_mem>>, %arg14: memref<!tpu.dma_semaphore, #tpu.memory_space<semaphore_mem>>) attributes {dimension_semantics = [#tpu.dimension_semantics<core_parallel>, #tpu.dimension_semantics<subcore_parallel>], iteration_bounds = array<i64: 2, 16>, scalar_prefetch = 0 : i64, scratch_operands = 10 : i64, tpu.core_type = #tpu.core_type<sc_vector_subcore>, window_params = [{transform_indices = #map}, {transform_indices = #map1}, {transform_indices = #map}]} {
    %mul3A = arith.constant 4 : i32
    %mul3A_0 = arith.muli %arg0, %mul3A : i32
    %shift_right_arithmetic3A = arith.constant 2 : i32
    %shift_right_arithmetic3A_1 = arith.shrsi %arg1, %shift_right_arithmetic3A : i32
    %add3A = arith.addi %mul3A_0, %shift_right_arithmetic3A_1 : i32
    %shift_right_arithmetic3A_2 = arith.constant 2 : i32
    %shift_right_arithmetic3A_3 = arith.shrsi %arg1, %shift_right_arithmetic3A_2 : i32
    %and3A = arith.constant 3 : i32
    %and3A_4 = arith.andi %arg1, %and3A : i32
    %mul3A_5 = arith.constant 4096 : i32
    %mul3A_6 = arith.muli %add3A, %mul3A_5 : i32
    %mul3A_7 = arith.constant 1024 : i32
    %mul3A_8 = arith.muli %and3A_4, %mul3A_7 : i32
    %add3A_9 = arith.addi %mul3A_6, %mul3A_8 : i32
    %swap3A = arith.constant 0 : i32
    %swap3A_10 = arith.constant 0 : i32
    %swap3A_11 = arith.index_cast %swap3A_10 : i32 to index
    %swap3A_12 = memref.load %arg10[%swap3A_11] : memref<1xi32, #tpu.memory_space<smem>>
    memref.store %swap3A, %arg10[%swap3A_11] : memref<1xi32, #tpu.memory_space<smem>>
    "tpu.region"() ({
      %run_scoped3A = tpu.sem_alloc : memref<!tpu.dma_semaphore, #tpu.memory_space<semaphore_mem>>
      tpu.enqueue_dma source(%arg3 : memref<16xi32, #tpu.memory_space<hbm>>) target(%arg5 : memref<16xi32, #tpu.memory_space<vmem>>) target_semaphore(%run_scoped3A : memref<!tpu.dma_semaphore, #tpu.memory_space<semaphore_mem>>)
      tpu.wait_dma2 semaphore(%run_scoped3A : memref<!tpu.dma_semaphore, #tpu.memory_space<semaphore_mem>>) src(%arg3 : memref<16xi32, #tpu.memory_space<hbm>>) dst(%arg5 : memref<16xi32, #tpu.memory_space<vmem>>)
      tpu.yield
    }) : () -> ()
    %get3A = arith.constant 0 : index
    %get3A_13 = tpu.vector_load %arg5[%get3A] {strides = array<i32>} : memref<16xi32, #tpu.memory_space<vmem>>, vector<16xi32>,
    %and3A_14 = arith.constant 127 : i32
    %and3A_15 = vector.broadcast %and3A_14 : i32 to vector<16xi32>
    %and3A_16 = arith.andi %get3A_13, %and3A_15 : vector<16xi32>
    %slice3A = vector.extract_strided_slice %get3A_13 {offsets = [0], sizes = [1], strides = [1]} : vector<16xi32> to vector<1xi32>
    %squeeze3A = vector.extract %slice3A[0] : i32 from vector<1xi32>
    %shift_right_arithmetic3A_17 = arith.constant 7 : i32
    %shift_right_arithmetic3A_18 = arith.shrsi %squeeze3A, %shift_right_arithmetic3A_17 : i32
    %shift_left3A = arith.constant 7 : i32
    %shift_left3A_19 = arith.shli %shift_right_arithmetic3A_18, %shift_left3A : i32
    %multiple_of3A = tpu.assume_multiple %shift_left3A_19, 128 : i32
    %iota3A = tpu.iota {dimensions = array<i32: 0>} : vector<16xi32>
    %broadcast_in_dim3A = arith.constant 0 : i32
    %broadcast_in_dim3A_20 = vector.broadcast %broadcast_in_dim3A : i32 to vector<16xi32>
    %add3A_21 = arith.constant 0 : i32
    %add3A_22 = arith.addi %add3A_9, %add3A_21 : i32
    %dma_start3A = tpu.memref_slice %arg2[%add3A_22, %multiple_of3A] : memref<32768x1024xf32, #tpu.memory_space<hbm>> -> memref<256x128xf32, #tpu.memory_space<hbm>>
    %dma_start3A_23 = tpu.memref_slice %arg2[%add3A_22, %multiple_of3A] : memref<32768x1024xf32, #tpu.memory_space<hbm>> -> memref<256x128xf32, #tpu.memory_space<hbm>>
    tpu.enqueue_dma source(%dma_start3A_23 : memref<256x128xf32, #tpu.memory_space<hbm>>) target(%arg6 : memref<256x128xf32, #tpu.memory_space<vmem>>) target_semaphore(%arg12 : memref<!tpu.dma_semaphore, #tpu.memory_space<semaphore_mem>>)
    %add3A_24 = arith.constant 256 : i32
    %add3A_25 = arith.addi %add3A_9, %add3A_24 : i32
    %dma_start3A_26 = tpu.memref_slice %arg2[%add3A_25, %multiple_of3A] : memref<32768x1024xf32, #tpu.memory_space<hbm>> -> memref<256x128xf32, #tpu.memory_space<hbm>>
    %dma_start3A_27 = tpu.memref_slice %arg2[%add3A_25, %multiple_of3A] : memref<32768x1024xf32, #tpu.memory_space<hbm>> -> memref<256x128xf32, #tpu.memory_space<hbm>>
    tpu.enqueue_dma source(%dma_start3A_27 : memref<256x128xf32, #tpu.memory_space<hbm>>) target(%arg7 : memref<256x128xf32, #tpu.memory_space<vmem>>) target_semaphore(%arg13 : memref<!tpu.dma_semaphore, #tpu.memory_space<semaphore_mem>>)
    %scan3A = arith.constant 0 : i32
    %scan3A_28 = arith.constant 0 : i32
    %scan3A_29 = arith.constant 64 : i32
    %scan3A_30 = arith.addi %scan3A_28, %scan3A_29 : i32
    %scan3A_31 = arith.constant 1 : i32
    scf.for %scan3A_76 = %scan3A_28 to %scan3A_30 step %scan3A_31  : i32 {
      %mul3A_77 = arith.constant 16 : i32
      %mul3A_78 = arith.muli %scan3A_76, %mul3A_77 : i32
      %swap3A_79 = arith.index_cast %mul3A_78 : i32 to index
      %swap3A_80 = tpu.vector_load %arg8[%swap3A_79] {strides = array<i32>} : memref<1024xi32, #tpu.memory_space<vmem>>, vector<16xi32>,
      tpu.vector_store %arg8[%swap3A_79], %broadcast_in_dim3A_20 {strides = array<i32>} : memref<1024xi32, #tpu.memory_space<vmem>>, vector<16xi32>,
    }
    %scan3A_32 = arith.constant 64 : i32
    %broadcast_in_dim3A_33 = arith.constant 0 : i32
    %broadcast_in_dim3A_34 = vector.broadcast %broadcast_in_dim3A_33 : i32 to vector<16xi32>
    %scan3A_35 = arith.constant 0 : i32
    %scan3A_36 = arith.constant 2 : i32
    %scan3A_37 = arith.addi %scan3A_35, %scan3A_36 : i32
    %scan3A_38 = arith.constant 1 : i32
    %scan3A_39 = scf.for %scan3A_76 = %scan3A_35 to %scan3A_37 step %scan3A_38 iter_args(%scan3A_77 = %broadcast_in_dim3A_34) -> (vector<16xi32>)  : i32 {
      %mul3A_78 = arith.constant 2 : i32
      %mul3A_79 = arith.muli %mul3A_78, %scan3A_76 : i32
      %mul3A_80 = arith.constant 256 : i32
      %mul3A_81 = arith.muli %mul3A_79, %mul3A_80 : i32
      %add3A_82 = arith.addi %add3A_9, %mul3A_81 : i32
      %dma_wait3A_83 = tpu.memref_slice %arg2[%add3A_82, %multiple_of3A] : memref<32768x1024xf32, #tpu.memory_space<hbm>> -> memref<256x128xf32, #tpu.memory_space<hbm>>
      %dma_wait3A_84 = tpu.memref_slice %arg2[%add3A_82, %multiple_of3A] : memref<32768x1024xf32, #tpu.memory_space<hbm>> -> memref<256x128xf32, #tpu.memory_space<hbm>>
      tpu.wait_dma2 semaphore(%arg12 : memref<!tpu.dma_semaphore, #tpu.memory_space<semaphore_mem>>) src(%dma_wait3A_84 : memref<256x128xf32, #tpu.memory_space<hbm>>) dst(%arg6 : memref<256x128xf32, #tpu.memory_space<vmem>>)
      %scan3A_85 = arith.constant 0 : i32
      %scan3A_86 = arith.constant 16 : i32
      %scan3A_87 = arith.addi %scan3A_85, %scan3A_86 : i32
      %scan3A_88 = arith.constant 1 : i32
      %scan3A_89 = scf.for %scan3A_120 = %scan3A_85 to %scan3A_87 step %scan3A_88 iter_args(%scan3A_121 = %scan3A_77) -> (vector<16xi32>)  : i32 {
        %mul3A_122 = arith.constant 16 : i32
        %mul3A_123 = arith.muli %scan3A_120, %mul3A_122 : i32
        %add3A_124 = vector.broadcast %mul3A_123 : i32 to vector<16xi32>
        %add3A_125 = arith.addi %add3A_124, %iota3A : vector<16xi32>
        %gather3A = tpu.vector_load_idx %arg6[%add3A_125, %and3A_16] : memref<256x128xf32, #tpu.memory_space<vmem>>[vector<16xi32>, vector<16xi32>], vector<16xf32>,
        %ne3A = arith.constant 0.000000e+00 : f32
        %ne3A_126 = vector.broadcast %ne3A : f32 to vector<16xf32>
        %ne3A_127 = arith.cmpf one, %gather3A, %ne3A_126 : vector<16xf32>
        %convert_element_type3A_128 = arith.extui %ne3A_127 : vector<16xi1> to vector<16xi32>
        %broadcast_in_dim3A_129 = arith.constant true
        %broadcast_in_dim3A_130 = vector.broadcast %broadcast_in_dim3A_129 : i1 to vector<16xi1>
        %masked_cumsum3A = tpu.scan <sum>, %convert_element_type3A_128 masked %broadcast_in_dim3A_130 : vector<16xi32>, vector<16xi1> -> vector<16xi32>
        %add3A_131 = arith.addi %scan3A_121, %masked_cumsum3A : vector<16xi32>
        %sub3A_132 = arith.constant 1 : i32
        %sub3A_133 = vector.broadcast %sub3A_132 : i32 to vector<16xi32>
        %sub3A_134 = arith.subi %add3A_131, %sub3A_133 : vector<16xi32>
        %mul3A_135 = arith.constant 1024 : i32
        %mul3A_136 = arith.muli %and3A_4, %mul3A_135 : i32
        %mul3A_137 = arith.constant 256 : i32
        %mul3A_138 = arith.muli %mul3A_79, %mul3A_137 : i32
        %add3A_139 = arith.addi %mul3A_136, %mul3A_138 : i32
        %add3A_140 = vector.broadcast %add3A_139 : i32 to vector<16xi32>
        %add3A_141 = arith.addi %add3A_140, %add3A_125 : vector<16xi32>
        tpu.vector_store_idx %arg8[%sub3A_134], %add3A_141 masked %ne3A_127 : memref<1024xi32, #tpu.memory_space<vmem>>[vector<16xi32>], vector<16xi32>, vector<16xi1>
        %all_reduce_population_count3A = tpu.all_reduce %ne3A_127 {dim = 0 : i64, kind = #tpu.reduction_kind<sum>} : vector<16xi1> -> vector<16xi32>
        %add3A_142 = arith.addi %scan3A_121, %all_reduce_population_count3A : vector<16xi32>
        scf.yield %add3A_142 : vector<16xi32>
      }
      %scan3A_90 = arith.constant 16 : i32
      %add3A_91 = arith.constant 2 : i32
      %add3A_92 = arith.addi %mul3A_79, %add3A_91 : i32
      %lt3A_93 = arith.constant 4 : i32
      %lt3A_94 = arith.cmpi slt, %add3A_92, %lt3A_93 : i32
      %convert_element_type3A_95 = arith.extui %lt3A_94 : i1 to i32
      %cond3A_96 = arith.constant 0 : i32
      %cond3A_97 = arith.cmpi ne, %convert_element_type3A_95, %cond3A_96 : i32
      scf.if %cond3A_97 {
        %add3A_120 = arith.constant 2 : i32
        %add3A_121 = arith.addi %mul3A_79, %add3A_120 : i32
        %mul3A_122 = arith.constant 256 : i32
        %mul3A_123 = arith.muli %add3A_121, %mul3A_122 : i32
        %add3A_124 = arith.addi %add3A_9, %mul3A_123 : i32
        %dma_start3A_125 = tpu.memref_slice %arg2[%add3A_124, %multiple_of3A] : memref<32768x1024xf32, #tpu.memory_space<hbm>> -> memref<256x128xf32, #tpu.memory_space<hbm>>
        %dma_start3A_126 = tpu.memref_slice %arg2[%add3A_124, %multiple_of3A] : memref<32768x1024xf32, #tpu.memory_space<hbm>> -> memref<256x128xf32, #tpu.memory_space<hbm>>
        tpu.enqueue_dma source(%dma_start3A_126 : memref<256x128xf32, #tpu.memory_space<hbm>>) target(%arg6 : memref<256x128xf32, #tpu.memory_space<vmem>>) target_semaphore(%arg12 : memref<!tpu.dma_semaphore, #tpu.memory_space<semaphore_mem>>)
      } else {
      }
      %mul3A_98 = arith.constant 2 : i32
      %mul3A_99 = arith.muli %mul3A_98, %scan3A_76 : i32
      %add3A_100 = arith.constant 1 : i32
      %add3A_101 = arith.addi %mul3A_99, %add3A_100 : i32
      %mul3A_102 = arith.constant 256 : i32
      %mul3A_103 = arith.muli %add3A_101, %mul3A_102 : i32
      %add3A_104 = arith.addi %add3A_9, %mul3A_103 : i32
      %dma_wait3A_105 = tpu.memref_slice %arg2[%add3A_104, %multiple_of3A] : memref<32768x1024xf32, #tpu.memory_space<hbm>> -> memref<256x128xf32, #tpu.memory_space<hbm>>
      %dma_wait3A_106 = tpu.memref_slice %arg2[%add3A_104, %multiple_of3A] : memref<32768x1024xf32, #tpu.memory_space<hbm>> -> memref<256x128xf32, #tpu.memory_space<hbm>>
      tpu.wait_dma2 semaphore(%arg13 : memref<!tpu.dma_semaphore, #tpu.memory_space<semaphore_mem>>) src(%dma_wait3A_106 : memref<256x128xf32, #tpu.memory_space<hbm>>) dst(%arg7 : memref<256x128xf32, #tpu.memory_space<vmem>>)
      %scan3A_107 = arith.constant 0 : i32
      %scan3A_108 = arith.constant 16 : i32
      %scan3A_109 = arith.addi %scan3A_107, %scan3A_108 : i32
      %scan3A_110 = arith.constant 1 : i32
      %scan3A_111 = scf.for %scan3A_120 = %scan3A_107 to %scan3A_109 step %scan3A_110 iter_args(%scan3A_121 = %scan3A_89) -> (vector<16xi32>)  : i32 {
        %mul3A_122 = arith.constant 16 : i32
        %mul3A_123 = arith.muli %scan3A_120, %mul3A_122 : i32
        %add3A_124 = vector.broadcast %mul3A_123 : i32 to vector<16xi32>
        %add3A_125 = arith.addi %add3A_124, %iota3A : vector<16xi32>
        %gather3A = tpu.vector_load_idx %arg7[%add3A_125, %and3A_16] : memref<256x128xf32, #tpu.memory_space<vmem>>[vector<16xi32>, vector<16xi32>], vector<16xf32>,
        %ne3A = arith.constant 0.000000e+00 : f32
        %ne3A_126 = vector.broadcast %ne3A : f32 to vector<16xf32>
        %ne3A_127 = arith.cmpf one, %gather3A, %ne3A_126 : vector<16xf32>
        %convert_element_type3A_128 = arith.extui %ne3A_127 : vector<16xi1> to vector<16xi32>
        %broadcast_in_dim3A_129 = arith.constant true
        %broadcast_in_dim3A_130 = vector.broadcast %broadcast_in_dim3A_129 : i1 to vector<16xi1>
        %masked_cumsum3A = tpu.scan <sum>, %convert_element_type3A_128 masked %broadcast_in_dim3A_130 : vector<16xi32>, vector<16xi1> -> vector<16xi32>
        %add3A_131 = arith.addi %scan3A_121, %masked_cumsum3A : vector<16xi32>
        %sub3A_132 = arith.constant 1 : i32
        %sub3A_133 = vector.broadcast %sub3A_132 : i32 to vector<16xi32>
        %sub3A_134 = arith.subi %add3A_131, %sub3A_133 : vector<16xi32>
        %mul3A_135 = arith.constant 1024 : i32
        %mul3A_136 = arith.muli %and3A_4, %mul3A_135 : i32
        %mul3A_137 = arith.constant 256 : i32
        %mul3A_138 = arith.muli %add3A_101, %mul3A_137 : i32
        %add3A_139 = arith.addi %mul3A_136, %mul3A_138 : i32
        %add3A_140 = vector.broadcast %add3A_139 : i32 to vector<16xi32>
        %add3A_141 = arith.addi %add3A_140, %add3A_125 : vector<16xi32>
        tpu.vector_store_idx %arg8[%sub3A_134], %add3A_141 masked %ne3A_127 : memref<1024xi32, #tpu.memory_space<vmem>>[vector<16xi32>], vector<16xi32>, vector<16xi1>
        %all_reduce_population_count3A = tpu.all_reduce %ne3A_127 {dim = 0 : i64, kind = #tpu.reduction_kind<sum>} : vector<16xi1> -> vector<16xi32>
        %add3A_142 = arith.addi %scan3A_121, %all_reduce_population_count3A : vector<16xi32>
        scf.yield %add3A_142 : vector<16xi32>
      }
      %scan3A_112 = arith.constant 16 : i32
      %add3A_113 = arith.constant 2 : i32
      %add3A_114 = arith.addi %add3A_101, %add3A_113 : i32
      %lt3A_115 = arith.constant 4 : i32
      %lt3A_116 = arith.cmpi slt, %add3A_114, %lt3A_115 : i32
      %convert_element_type3A_117 = arith.extui %lt3A_116 : i1 to i32
      %cond3A_118 = arith.constant 0 : i32
      %cond3A_119 = arith.cmpi ne, %convert_element_type3A_117, %cond3A_118 : i32
      scf.if %cond3A_119 {
        %add3A_120 = arith.constant 2 : i32
        %add3A_121 = arith.addi %add3A_101, %add3A_120 : i32
        %mul3A_122 = arith.constant 256 : i32
        %mul3A_123 = arith.muli %add3A_121, %mul3A_122 : i32
        %add3A_124 = arith.addi %add3A_9, %mul3A_123 : i32
        %dma_start3A_125 = tpu.memref_slice %arg2[%add3A_124, %multiple_of3A] : memref<32768x1024xf32, #tpu.memory_space<hbm>> -> memref<256x128xf32, #tpu.memory_space<hbm>>
        %dma_start3A_126 = tpu.memref_slice %arg2[%add3A_124, %multiple_of3A] : memref<32768x1024xf32, #tpu.memory_space<hbm>> -> memref<256x128xf32, #tpu.memory_space<hbm>>
        tpu.enqueue_dma source(%dma_start3A_126 : memref<256x128xf32, #tpu.memory_space<hbm>>) target(%arg7 : memref<256x128xf32, #tpu.memory_space<vmem>>) target_semaphore(%arg13 : memref<!tpu.dma_semaphore, #tpu.memory_space<semaphore_mem>>)
      } else {
      }
      scf.yield %scan3A_111 : vector<16xi32>
    }
    %scan3A_40 = arith.constant 2 : i32
    %slice3A_41 = vector.extract_strided_slice %scan3A_39 {offsets = [0], sizes = [1], strides = [1]} : vector<16xi32> to vector<1xi32>
    %squeeze3A_42 = vector.extract %slice3A_41[0] : i32 from vector<1xi32>
    %eq3A = arith.constant 0 : i32
    %eq3A_43 = arith.cmpi eq, %and3A_4, %eq3A : i32
    %jit3A = arith.constant 1 : i32
    %jit3A_44 = arith.constant 0 : i32
    %select_n3A = arith.select %eq3A_43, %jit3A, %jit3A_44 : i32
    %while3A = arith.constant 0 : i32
    %while3A_45:2 = scf.while (%while3A_76 = %select_n3A, %while3A_77 = %while3A) : (i32, i32) -> (i32, i32) {
      %eq3A_78 = arith.constant 0 : i32
      %eq3A_79 = arith.cmpi eq, %while3A_76, %eq3A_78 : i32
      %lt3A_80 = arith.constant 1048576 : i32
      %lt3A_81 = arith.cmpi slt, %while3A_77, %lt3A_80 : i32
      %and3A_82 = arith.andi %eq3A_79, %lt3A_81 : i1
      scf.condition(%and3A_82) %while3A_76, %while3A_77 : i32, i32
    } do {
    ^bb0(%while3A_76: i32, %while3A_77: i32):
      %sc_fetch_and_add3A = arith.constant 0 : i32
      %sc_fetch_and_add3A_78 = arith.constant 0 : i32
      %sc_fetch_and_add3A_79 = tpu.fetch_and_add_sync %arg10[%sc_fetch_and_add3A_78], %sc_fetch_and_add3A, %arg1 : memref<1xi32, #tpu.memory_space<smem>>, i32 -> i32
      %add3A_80 = arith.constant 1 : i32
      %add3A_81 = arith.addi %while3A_77, %add3A_80 : i32
      scf.yield %sc_fetch_and_add3A_79, %add3A_81 : i32, i32
    }
    %sub3A = arith.constant 1 : i32
    %sub3A_46 = arith.subi %while3A_45#0, %sub3A : i32
    %lt3A = arith.constant 3 : i32
    %lt3A_47 = arith.cmpi slt, %and3A_4, %lt3A : i32
    %convert_element_type3A = arith.extui %lt3A_47 : i1 to i32
    %cond3A = arith.constant 0 : i32
    %cond3A_48 = arith.cmpi ne, %convert_element_type3A, %cond3A : i32
    scf.if %cond3A_48 {
      %add3A_76 = arith.addi %sub3A_46, %squeeze3A_42 : i32
      %add3A_77 = arith.constant 1 : i32
      %add3A_78 = arith.addi %add3A_76, %add3A_77 : i32
      %add3A_79 = arith.constant 1 : i32
      %add3A_80 = arith.addi %arg1, %add3A_79 : i32
      %sc_fetch_and_add3A = arith.constant 0 : i32
      %sc_fetch_and_add3A_81 = tpu.fetch_and_add_sync %arg10[%sc_fetch_and_add3A], %add3A_78, %add3A_80 : memref<1xi32, #tpu.memory_space<smem>>, i32 -> i32
    } else {
    }
    %mul3A_49 = arith.constant 1024 : i32
    %mul3A_50 = arith.muli %and3A_4, %mul3A_49 : i32
    %sub3A_51 = arith.subi %mul3A_50, %sub3A_46 : i32
    %mul3A_52 = arith.constant 4096 : i32
    %mul3A_53 = arith.muli %shift_right_arithmetic3A_3, %mul3A_52 : i32
    %add3A_54 = arith.addi %mul3A_53, %sub3A_46 : i32
    %mul3A_55 = arith.constant 4096 : i32
    %mul3A_56 = arith.muli %shift_right_arithmetic3A_3, %mul3A_55 : i32
    %add3A_57 = arith.constant 4095 : i32
    %add3A_58 = arith.addi %mul3A_56, %add3A_57 : i32
    %sub3A_59 = arith.subi %add3A_58, %sub3A_51 : i32
    %add3A_60 = vector.broadcast %sub3A_59 : i32 to vector<16xi32>
    %add3A_61 = arith.addi %add3A_60, %scan3A_39 : vector<16xi32>
    %scan3A_62 = arith.constant 0 : i32
    %scan3A_63 = arith.constant 0 : i32
    %scan3A_64 = arith.constant 64 : i32
    %scan3A_65 = arith.addi %scan3A_63, %scan3A_64 : i32
    %scan3A_66 = arith.constant 1 : i32
    scf.for %scan3A_76 = %scan3A_63 to %scan3A_65 step %scan3A_66  : i32 {
      %mul3A_77 = arith.constant 16 : i32
      %mul3A_78 = arith.muli %scan3A_76, %mul3A_77 : i32
      %add3A_79 = vector.broadcast %mul3A_78 : i32 to vector<16xi32>
      %add3A_80 = arith.addi %add3A_79, %iota3A : vector<16xi32>
      %lt3A_81 = arith.cmpi slt, %add3A_80, %scan3A_39 : vector<16xi32>
      %add3A_82 = vector.broadcast %add3A_54 : i32 to vector<16xi32>
      %add3A_83 = arith.addi %add3A_82, %add3A_80 : vector<16xi32>
      %sub3A_84 = arith.subi %add3A_61, %add3A_80 : vector<16xi32>
      %select_n3A_85 = arith.select %lt3A_81, %add3A_83, %sub3A_84 : vector<16xi1>, vector<16xi32>
      %mul3A_86 = arith.constant 16 : i32
      %mul3A_87 = arith.muli %scan3A_76, %mul3A_86 : i32
      %swap3A_88 = arith.index_cast %mul3A_87 : i32 to index
      %swap3A_89 = tpu.vector_load %arg9[%swap3A_88] {strides = array<i32>} : memref<1024xi32, #tpu.memory_space<vmem>>, vector<16xi32>,
      tpu.vector_store %arg9[%swap3A_88], %select_n3A_85 {strides = array<i32>} : memref<1024xi32, #tpu.memory_space<vmem>>, vector<16xi32>,
    }
    %scan3A_67 = arith.constant 64 : i32
    %dma_start3A_68 = arith.constant 0 : i32
    %dma_start3A_69 = tpu.memref_slice %arg11[%dma_start3A_68] : memref<16384xi32, #tpu.memory_space<vmem_shared>> -> memref<16384xi32, #tpu.memory_space<vmem_shared>>
    tpu.enqueue_indirect_dma source(%arg8 : memref<1024xi32, #tpu.memory_space<vmem>>) target(%dma_start3A_69 : memref<16384xi32, #tpu.memory_space<vmem_shared>>) offsets(%arg9 : memref<1024xi32, #tpu.memory_space<vmem>>) semaphore(%arg14 : memref<!tpu.dma_semaphore, #tpu.memory_space<semaphore_mem>>)
    %dma_wait3A = arith.constant 0 : i32
    %dma_wait3A_70 = tpu.memref_slice %arg11[%dma_wait3A] : memref<16384xi32, #tpu.memory_space<vmem_shared>> -> memref<16384xi32, #tpu.memory_space<vmem_shared>>
    tpu.wait_indirect_dma semaphore(%arg14 : memref<!tpu.dma_semaphore, #tpu.memory_space<semaphore_mem>>) src(%arg8 : memref<1024xi32, #tpu.memory_space<vmem>>) dst(%dma_wait3A_70 : memref<16384xi32, #tpu.memory_space<vmem_shared>>)
    %barrier3A = arith.constant 0 : index
    tpu.barrier barrier_id(%barrier3A)
    %eq3A_71 = arith.constant 0 : i32
    %eq3A_72 = arith.cmpi eq, %and3A_4, %eq3A_71 : i32
    %convert_element_type3A_73 = arith.extui %eq3A_72 : i1 to i32
    %cond3A_74 = arith.constant 0 : i32
    %cond3A_75 = arith.cmpi ne, %convert_element_type3A_73, %cond3A_74 : i32
    scf.if %cond3A_75 {
      %mul3A_76 = arith.constant 4096 : i32
      %mul3A_77 = arith.muli %shift_right_arithmetic3A_3, %mul3A_76 : i32
      "tpu.region"() ({
        %run_scoped3A = tpu.sem_alloc : memref<!tpu.dma_semaphore, #tpu.memory_space<semaphore_mem>>
        %dma_start3A_78 = arith.constant 0 : i32
        %dma_start3A_79 = tpu.memref_slice %arg4[%add3A, %dma_start3A_78] : memref<8x4096xi32, #tpu.memory_space<hbm>> -> memref<1x4096xi32, #tpu.memory_space<hbm>>
        %dma_start3A_80 = tpu.memref_squeeze %dma_start3A_79 : memref<1x4096xi32, #tpu.memory_space<hbm>> -> memref<4096xi32, #tpu.memory_space<hbm>>
        %dma_start3A_81 = tpu.memref_slice %arg11[%mul3A_77] : memref<16384xi32, #tpu.memory_space<vmem_shared>> -> memref<4096xi32, #tpu.memory_space<vmem_shared>>
        tpu.enqueue_dma source(%dma_start3A_81 : memref<4096xi32, #tpu.memory_space<vmem_shared>>) target(%dma_start3A_80 : memref<4096xi32, #tpu.memory_space<hbm>>) target_semaphore(%run_scoped3A : memref<!tpu.dma_semaphore, #tpu.memory_space<semaphore_mem>>)
        %dma_wait3A_82 = arith.constant 0 : i32
        %dma_wait3A_83 = tpu.memref_slice %arg4[%add3A, %dma_wait3A_82] : memref<8x4096xi32, #tpu.memory_space<hbm>> -> memref<1x4096xi32, #tpu.memory_space<hbm>>
        %dma_wait3A_84 = tpu.memref_squeeze %dma_wait3A_83 : memref<1x4096xi32, #tpu.memory_space<hbm>> -> memref<4096xi32, #tpu.memory_space<hbm>>
        %dma_wait3A_85 = tpu.memref_slice %arg11[%mul3A_77] : memref<16384xi32, #tpu.memory_space<vmem_shared>> -> memref<4096xi32, #tpu.memory_space<vmem_shared>>
        tpu.wait_dma2 semaphore(%run_scoped3A : memref<!tpu.dma_semaphore, #tpu.memory_space<semaphore_mem>>) src(%dma_wait3A_85 : memref<4096xi32, #tpu.memory_space<vmem_shared>>) dst(%dma_wait3A_84 : memref<4096xi32, #tpu.memory_space<hbm>>)
        tpu.yield
      }) : () -> ()
    } else {
    }
    return
  }
}

</mosaic_0001>

<sc_bundles>
// kernel: kernel.3.cloned.1.call-start
scs
__scs_entry_jumppad:
0x0: {  	(pc) =	sbr.rel $0x88, $3  }
0x1: {  	(tag) =	ssettag $0x0;
	lr =	simm.s32 $0x1  }
0x2: {  	[smem:$0x3F9F] =	sst lr;
	_ =	strace $0xD0000000  }
0x3: {  	_ = 	snop  }
0x4: {  	_ = 	snop  }
0x5: {  	_ = 	snop  }
0x6: {  	_ = 	snop  }
0x7: {  	_ = 	snop  }
__scs_overlays_trampoline_lowered:
0x8: {  	[smem:$0x3FAE] =	sst s0  }
0x9: {  	[smem:$0x3FAF] =	sst s1  }
0xa: {  	[smem:$0x3FB0] =	sst s2  }
0xb: {  	[smem:$0x3FB1] =	sst s3  }
0xc: {  	[smem:$0x3FB2] =	sst s4  }
0xd: {  	[smem:$0x3FB3] =	sst s5  }
0xe: {  	[smem:$0x3FB4] =	sst s6  }
0xf: {  	[smem:$0x3FB5] =	sst s7  }
0x10: {  	[smem:$0x3FB6] =	sst s8  }
0x11: {  	[smem:$0x3FB7] =	sst s9;
	s0 =	simm.s32 @!p0 $0x0  }
0x12: {  	s1 =	sld [smem:$0x3F9D];
	s0 =	simm.s32 @p0 $0x1  }
0x13: {  	[smem:$0x3FB8] =	sst s0;
	s0 =	simm.s32 @!p1 $0x0  }
0x14: {  	s2 =	sld [smem:$0x3F9C];
	s0 =	simm.s32 @p1 $0x1  }
0x15: {  	[smem:$0x3FB9] =	sst s0;
	s0 =	simm.s32 @!p2 $0x0  }
0x16: {  	s3 =	sld [smem:$0x3FDB];
	s0 =	simm.s32 @p2 $0x1  }
0x17: {  	s4 =	simm.s32 $0x1BF5;
	[smem:$0x3FBB] =	sst s0  }
0x18: {  	s0 =	sld [smem:$0x3F9E];
	_ =	swait.ge [sflag:s4], $0x0  }
0x19: {  	s7 =	sld [smem:$0x3F9F]  }
0x1a: {  	s8 =	sadd.s32 $0xFFFFE003, lr  }
0x1b: {  	s9 =	sadd.s32 $0xFFFFFEF7, lr;
	s5 =	simm.s32 $0xFFFFFFFF;
	p2 =	slt.u32 s8, $0xFFFFF086  }
0x1c: {  	p1 =	slt.u32 s9, $0xF7A;
	s5 =	simm.s32 @!p2 $0x0  }
0x1d: {  	s5 =	simm.s32 @p1 $0x1;
	p0 =	seq.s32 s7, s2  }
0x1e: {  	s7 =	smul.u32 @!p0 $0xF7A, s2;
	p2 =	seq.s32 @!p0 s5, $0x0  }
0x1f: {  	s9 =	smul.u32 $0xF7A, s1;
	s8 =	simm.s32 @!p0 $0x1BF5;
	p2 =	por !p2, p0  }
0x20: {  	[sflag:s8] =	ssyncset.s32 @!p0 $0xFFFFF086;
	s6 =	sadd.s32 @!p0 s3, s7;
	s7 =	simm.s32 @!p0 $0x108  }
0x21: {  	s3 =	sadd.s32 s3, s9;
	s6 =	sadd.s32 @!p0 $0x88, s6;
	s7 =	simm.s32 @p2 $0x1082  }
0x22: {  	[simem:s7], [sflag:s8] =	dma.local @!p0 [hbm:s6], $0xF7A  }
0x23: {  	s9 =	sor.u32 $0xD0000000, s2;
	s6 =	simm.s32 $0x108;
	_ =	swait.ge @!p0 [sflag:s8], $0x0  }
0x24: {  	s3 =	sadd.s32 $0x88, s3;
	s6 =	simm.s32 @!p1 $0x1082;
	[sflag:s4] =	ssyncset.s32 $0xFFFFF086  }
0x25: {  	[simem:s6], [sflag:s4] =	dma.local [hbm:s3], $0xF7A  }
0x26: {  	[smem:$0x3F9F] =	sst s1;
	(tag) =	ssettag s2;
	_ =	strace s9  }
0x27: {  	s1 =	sld [smem:$0x3FAF]  }
0x28: {  	s2 =	sld [smem:$0x3FB0]  }
0x29: {  	s4 =	sld [smem:$0x3FB2]  }
0x2a: {  	p0 =	seq.s32 s5, $0x0;
	s5 =	sld [smem:$0x3FB3]  }
0x2b: {  	s6 =	sld [smem:$0x3FB4]  }
0x2c: {  	s7 =	sld [smem:$0x3FB5]  }
0x2d: {  	s3 =	simm.s32 $0x108;
	s8 =	sld [smem:$0x3FB6]  }
0x2e: {  	s3 =	simm.s32 @!p0 $0x1082;
	s9 =	sld [smem:$0x3FB7]  }
0x2f: {  	lr =	sadd.s32 s0, s3;
	s0 =	sld [smem:$0x3FAE]  }
0x30: {  	s3 =	sld [smem:$0x3FB1]  }
0x31: {  	[smem:$0x3FBA] =	sst s10  }
0x32: {  	s10 =	sld [smem:$0x3FB8];
	_ =	sdelay $0x3  }
0x33: {  	p0 =	seq.s32 s10, $0x1;
	s10 =	sld [smem:$0x3FBA];
	_ =	sdelay $0x3  }
0x34: {  	[smem:$0x3FBA] =	sst s10  }
0x35: {  	s10 =	sld [smem:$0x3FB9];
	_ =	sdelay $0x3  }
0x36: {  	p1 =	seq.s32 s10, $0x1;
	s10 =	sld [smem:$0x3FBA];
	_ =	sdelay $0x3  }
0x37: {  	[smem:$0x3FBA] =	sst s10  }
0x38: {  	s10 =	sld [smem:$0x3FBB]  }
0x39: {  	_ = 	snop;
	(pc) =	sbr.ind lr, $3  }
0x3a: {  	_ = 	snop  }
0x3b: {  	_ = 	snop  }
0x3c: {  	p2 =	seq.s32 s10, $0x1;
	s10 =	sld [smem:$0x3FBA]  }
0x3d: {  	_ =	shalt  }
0x3e: {  	_ =	shalt  }
0x3f: {  	_ =	shalt  }
0x40: {  	_ =	shalt  }
0x41: {  	_ =	shalt  }
0x42: {  	_ =	shalt  }
0x43: {  	_ =	shalt  }
0x44: {  	_ =	shalt  }
0x45: {  	_ =	shalt  }
0x46: {  	_ =	shalt  }
0x47: {  	_ =	shalt  }
0x48: {  	_ =	shalt  }
0x49: {  	_ =	shalt  }
0x4a: {  	_ =	shalt  }
0x4b: {  	_ =	shalt  }
0x4c: {  	_ =	shalt  }
0x4d: {  	_ =	shalt  }
0x4e: {  	_ =	shalt  }
0x4f: {  	_ =	shalt  }
0x50: {  	_ =	shalt  }
0x51: {  	_ =	shalt  }
0x52: {  	_ =	shalt  }
0x53: {  	_ =	shalt  }
0x54: {  	_ =	shalt  }
0x55: {  	_ =	shalt  }
0x56: {  	_ =	shalt  }
0x57: {  	_ =	shalt  }
0x58: {  	_ =	shalt  }
0x59: {  	_ =	shalt  }
0x5a: {  	_ =	shalt  }
0x5b: {  	_ =	shalt  }
0x5c: {  	_ =	shalt  }
0x5d: {  	_ =	shalt  }
0x5e: {  	_ =	shalt  }
0x5f: {  	_ =	shalt  }
0x60: {  	_ =	shalt  }
0x61: {  	_ =	shalt  }
0x62: {  	_ =	shalt  }
0x63: {  	_ =	shalt  }
0x64: {  	_ =	shalt  }
0x65: {  	_ =	shalt  }
0x66: {  	_ =	shalt  }
0x67: {  	_ =	shalt  }
0x68: {  	_ =	shalt  }
0x69: {  	_ =	shalt  }
0x6a: {  	_ =	shalt  }
0x6b: {  	_ =	shalt  }
0x6c: {  	_ =	shalt  }
0x6d: {  	_ =	shalt  }
0x6e: {  	_ =	shalt  }
0x6f: {  	_ =	shalt  }
0x70: {  	_ =	shalt  }
0x71: {  	_ =	shalt  }
0x72: {  	_ =	shalt  }
0x73: {  	_ =	shalt  }
0x74: {  	_ =	shalt  }
0x75: {  	_ =	shalt  }
0x76: {  	_ =	shalt  }
0x77: {  	_ =	shalt  }
0x78: {  	_ =	shalt  }
0x79: {  	_ =	shalt  }
0x7a: {  	_ =	shalt  }
0x7b: {  	_ =	shalt  }
0x7c: {  	_ =	shalt  }
0x7d: {  	_ =	shalt  }
0x7e: {  	_ =	shalt  }
0x7f: {  	_ =	shalt  }
0x80: {  	_ =	shalt  }
0x81: {  	_ =	shalt  }
0x82: {  	_ =	shalt  }
0x83: {  	_ =	shalt  }
0x84: {  	_ =	shalt  }
0x85: {  	_ =	shalt  }
0x86: {  	_ =	shalt  }
0x87: {  	_ =	shalt  }
.Lfunc_end0:
.L_simem_size_0:
called_computation_lowered:
.L_overlay_start_0:
0x88: {  	s2 =	sld [smem:$0x3FD9]  }
0x89: {  	s3 =	sld [smem:$0x3FFE];
	_ =	sdelay $0x1  }
0x8a: {  	s1 =	srdreg.scid  }
0x8b: {  	s0 =	sand.u32 $0x1, s1  }
0x8c: {  	s17 =	sshll.u32 s0, $0xA;
	s2 =	sadd.s32 s3, s2  }
0x8d: {  	s2 =	sadd.s32 s2, s17  }
0x8e: {  	[smem:$0x3FC6] =	sst s2  }
0x8f: {  	_ = 	snop  }
0x90: {  	s2 =	sld [smem:$0x3FC9]  }
0x91: {  	s18 =	sld [smem:$0x3FD0];
	(tm) =	ssettm $0x1  }
0x92: {  	s4 =	sld [smem:$0x3FFB];
	_ =	sdelay $0x3  }
0x93: {  	_ =	strace s4  }
0x94: {  	s4 =	sld [smem:$0x3FFC];
	_ =	sdelay $0x3  }
0x95: {  	_ =	strace s4  }
0x96: {  	s4 =	sld [smem:$0x3FFD];
	_ =	sdelay $0x3  }
0x97: {  	_ =	strace s4  }
0x98: {  	_ =	strace $0x8FFFFFFF  }
0x99: {  	s19 =	sld [smem:$0x3FDB];
	_ =	sdelay $0x1  }
0x9a: {  	s5 =	simm.s32 $_scs_section_size  }
0x9b: {  	s6 =	simm.s32 $_size__tile_overlayer_lowered;
	s7 =	simm.s32 $_tile_overlayer_lowered  }
0x9c: {  	s22 =	simm.s32 $0x1BFF;
	s21 =	sshll.u32 s7, $0x1;
	s4 =	sadd.s32 s5, s19  }
0x9d: {  	s8 =	simm.s32 $0x0;
	s20 =	sshll.u32 s6, $0x1;
	s6 =	sadd.s32 s21, s4  }
0x9e: {  	[timem:s8], [sflag:s22] =	dma.local [hbm:s6], s20  }
0x9f: {  	_ =	swait.ge [sflag:s22], s20  }
0xa0: {  	s5 =	ssub.s32 $0x0, s20;
	[sflag:s22] =	ssyncset.done $0x0  }
0xa1: {  	[sflag:s22] =	ssyncadd.s32 s5;
	_ =	sdelay $0x1  }
0xa2: {  	s23 =	simm.s32 $0x1B8B  }
0xa3: {  	_ =	swait.ge [sflag:s23], $0x1  }
0xa4: {  	[sflag:s23] =	ssyncset.done $0x0  }
0xa5: {  	s25 =	simm.s32 $0x1B8E;
	s24 =	sld [smem:$0x3FFE];
	[sflag:s23] =	ssyncadd.s32 $0xFFFFFFFF  }
0xa6: {  	s26 =	simm.s32 $execute0_lowered;
	[smem:$0x3FD2] =	sst s25  }
0xa7: {  	s6 =	sshll.u32 s26, $0x1;
	_ =	strace $0x80000046;
	[dreg:$0x1] =	wrdreg $0xFFFFFFFF  }
0xa8: {  	s28 =	simm.s32 $_size_execute0_lowered;
	s4 =	sadd.s32 s4, s6;
	[dreg:$0x0] =	wrdreg $0x0  }
0xa9: {  	s6 =	sshll.u32 s28, $0x1;
	[dreg:$0x2] =	wrdreg s4  }
0xaa: {  	[dreg:$0x3] =	wrdreg s6  }
0xab: {  	[dreg:$0x4] =	wrdreg $0xC0  }
0xac: {  	_ =	task [dreg:s8], $0x5FFFF  }
0xad: {  	[dreg:$0x1] =	wrdreg $0xFFFFFFFF  }
0xae: {  	[dreg:$0x0] =	wrdreg $0x60  }
0xaf: {  	[dreg:$0x2] =	wrdreg s2  }
0xb0: {  	[dreg:$0x3] =	wrdreg s24  }
0xb1: {  	[dreg:$0x4] =	wrdreg s18  }
0xb2: {  	[dreg:$0x5] =	wrdreg $0x108800  }
0xb3: {  	[dreg:$0x6] =	wrdreg $0x9  }
0xb4: {  	_ =	task.clear_ibuf [dreg:s8], $0x7FFFF;
	_ =	strace $0x90000046  }
0xb5: {  	s29 =	simm.s32 $0x9;
	_ =	strace $0x80000048  }
0xb6: {  	_ =	swait.ge [sflag:s29], $0x1  }
0xb7: {  	[sflag:s29] =	ssyncadd.s32 $0xFFFFFFFF  }
0xb8: {  	_ =	strace $0x90000048  }
0xb9: {  	_ =	sfence  }
0xba: {  	s30 =	sld [smem:$0x0];
	_ =	sdelay $0x2  }
0xbb: {  	s31 =	sshll.u32 s1, $0xD;
	s1 =	sshrl.u32 s1, $0x2  }
0xbc: {  	s3 =	sand.u32 $0x4000, s31;
	s1 =	sadd.s32 s1, s30  }
0xbd: {  	s0 =	sor.u32 s3, s0;
	s1 =	sshll.u32 s1, $0x11  }
0xbe: {  	s0 =	sor.u32 s1, s0  }
0xbf: {  	s0 =	sadd.s32 $0x8F2B, s0  }
0xc0: {  	[sflag:s0] =	ssyncadd.remote.s32 $0x1  }
0xc1: {  	_ =	sfence.sel $0xFFFF  }
0xc2: {  	[dreg:$0x0] =	wrdreg $0xFFFFFFFF;
	(pc) =	sbr.abs _section_cstart, $3  }
0xc3: {  	[dreg:$0x1] =	wrdreg $0xFFFFFFFF  }
0xc4: {  	_ =	task.clear_ibuf [dreg:s8], $0x2FFFF;
	_ =	strace $0x9FFFFFFF  }
0xc5: {  	(tm) =	ssettm $0x7FFFFFFF  }
tec
execute0_lowered:
.L_overlay_start_1:
0x0: {  	(tag) =	ssettag $0x1  }
0x1: {  	s1 =	rddreg [dreg:$0x0]  }
0x2: {  	s0 =	rddreg [dreg:$0x1]  }
0x3: {  	s2 =	rddreg [dreg:$0x2]  }
0x4: {  	s14 =	rddreg [dreg:$0x3];
	s3 =	simm.s32 $0x0  }
0x5: {  	s4 =	srdreg.scid;
	s15 =	simm.s32 $0x6;
	s16 =	simm.s32 $0x400  }
0x6: {  	s17 =	simm.s32 $0x2000;
	s18 =	simm.s32 $0x80;
	s19 =	simm.s32 $0x8080  }
0x7: {  	s20 =	simm.s32 $0x1;
	s21 =	simm.s32 $0x10080;
	s22 =	simm.s32 $0x2  }
0x8: {  	s28 =	simm.s32 $0x3;
	s29 =	simm.s32 $0x4;
	s30 =	simm.s32 $0x0  }
0x9: {  	[smem:$0x7FF] =	sst s3;
	s3 =	stileid.u32;
	s4 =	sand.u32 $0x1, s4  }
0xa: {  	s0 =	sadd.s32 $0x400, s0;
	_ =	strace $0x80000047;
	s5 =	sshll.u32 s4, $0x2  }
0xb: {  	s11 =	sshrl.u32 s3, $0x2;
	s4 =	ssub.s32 $0x2, s4;
	s23 =	sand.u32 $0x3, s3  }
0xc: {  	[dreg:$0x5] =	wrdreg s0;
	s26 =	sadd.s32 $0x1, s3;
	s5 =	sor.u32 s11, s5  }
0xd: {  	s6 =	sshrl.u32 s4, $0x1;
	s8 =	sshll.u32 s23, $0x14;
	s12 =	sshllo.u32 s11, $0xC  }
0xe: {  	s11 =	sshll.u32 s11, $0xC;
	p0 =	seq.s32 s23, $0x0;
	p1 =	sne.s32 s23, $0x0  }
0xf: {  	p2 =	seq.s32 s23, $0x3;
	s31 =	sshll.u32 s26, $0x10;
	s7 =	sshll.u32 s5, $0x16  }
0x10: {  	s24 =	ssub.s32 s4, s6;
	s5 =	sshll.u32 s5, $0x4;
	[dreg:$0x7] =	wrdreg s31  }
0x11: {  	s6 =	sor.u32 s8, s7;
	s7 =	sshll.u32 s23, $0xA;
	s13 =	sadd.s32 s2, s5  }
0x12: {  	s2 =	sadd.s32 s11, s14;
	s14 =	smax.u32 s24, $0x1;
	s23 =	simm.s32 $0x5  }
0x13: {  	v0 =	vlaneseq.u32;
	s25 =	sor.u32 $0x40000, s6;
	s9 =	sor.u32 $0x80000, s6;
	s10 =	sor.u32 $0xC0000, s6  }
0x14: {  	v1 =	vimm.s32 $0x0;
	v2 =	vmul.u32 $0x80, v0;
	v3 =	vmul.u32 $0xFFFFFFFF, v0;
	s12 =	ssub.s32 s12, s7;
	[dreg:$0x6] =	wrdreg s25;
	s25 =	sshrl.u32 @!p1 s2, $0x3  }
.LBB2_1:
0x15: {  	s0 =	simm.s32 $0x0;
	s2 =	rddreg [dreg:$0x5]  }
0x16: {  	[smem:$0x0] =	sst s0  }
0x17: {  	[tilespmem:s0], [sflag:$0x6] =	stream.linear.gather [hbm4b:s2+s0], $0x80, $0x38;
	[tilespmem:$0x10C80] =	vst v63  }
0x18: {  	_ =	swait.ge [sflag:s15], $0x80  }
0x19: {  	[sflag:s15] =	ssyncset.done $0x0  }
0x1a: {  	[sflag:s15] =	ssyncadd.s32 $0xFFFFFF80  }
0x1b: {  	v4 =	vld [tilespmem:$0x0];
	_ =	sdelay $0x4  }
0x1c: {  	(v2sf) =	vpush v4, $0x0;
	_ =	sdelay $0xe  }
0x1d: {  	s24 =	spop (v2sf)  }
0x1e: {  	s0 =	sshll.u32 s24, $0x3  }
0x1f: {  	s0 =	sand.u32 $0x7FFFFC00, s0  }
0x20: {  	s26 =	sadd.s32 s6, s0  }
0x21: {  	s2 =	sshrl.u32 s26, $0x3  }
0x22: {  	s31 =	rddreg [dreg:$0x6];
	s2 =	sadd.s32 s1, s2  }
0x23: {  	[tilespmem:s18], [sflag:$0x1] =	stream.strided.gather [hbm4b:s2+s16], $0x8000, s17, s16, $0x38;
	[tilespmem:$0x10C80] =	vst v63  }
0x24: {  	s2 =	sadd.s32 s0, s31  }
0x25: {  	s2 =	sshrl.u32 s2, $0x3  }
0x26: {  	s2 =	sadd.s32 s1, s2  }
0x27: {  	[tilespmem:s19], [sflag:$0x2] =	stream.strided.gather [hbm4b:s2+s16], $0x8000, s17, s16, $0x38;
	[tilespmem:$0x10C80] =	vst v63  }
0x28: {  	s4 =	simm.s32 $0x0;
	s2 =	simm.s32 $0x40  }
.LBB2_2:
0x29: {  	p3 =	seq.s32 s2, $0xFC0;
	[tilespmem:s4+$0x10080] =	vst v1;
	s4 =	smov.u32 s2;
	s2 =	sadd.s32 $0x40, s2  }
.Ltmp0:
0x2a: {  	(pc) =	sbr.rel @!p3 .LBB2_2-.Ltmp0, $2  }
0x2b: {  	_ =	sdelay $0x2  }
0x2c: {  	s4 =	sshra.s32 s4, $0x2  }
0x2d: {  	s2 =	sadd.s32 s0, s9;
	s26 =	sadd.s32 s0, s10;
	p3 =	por $0x1, $0x1  }
0x2e: {  	[tilespmem:s4+$0x10080] =	vst v1;
	s4 =	simm.s32 $0x0;
	s2 =	sshrl.u32 s2, $0x3;
	s0 =	sshrl.u32 s26, $0x3  }
0x2f: {  	v4 =	vand.u32 $0x7F, v4;
	v5 =	vimm.s32 $0x0;
	s31 =	sadd.s32 s1, s2;
	s0 =	sadd.s32 s1, s0;
	s2 =	simm.s32 $0x0  }
.LBB2_4:
0x30: {  	v6 =	vmov s2  }
0x31: {  	v6 =	vshll.u32 v6, $0x7  }
0x32: {  	v6 =	vor.u32 v2, v6  }
0x33: {  	v6 =	vor.u32 v4, v6;
	_ =	sdelay $0x1  }
0x34: {  	_ =	swait.ge [sflag:s20], $0x8000  }
0x35: {  	[sflag:s20] =	ssyncset.done $0x0  }
0x36: {  	[sflag:s20] =	ssyncadd.s32 $0xFFFF8000  }
0x37: {  	v6 =	vld.idx.msk [tilespmem:v6+s18+$0x0], $0xffff;
	_ =	sdelay $0x4  }
0x38: {  	vm0 =	vlt.f32 v6, $0.0e+00;
	vm1 =	vgt.f32 v6, $0.0e+00  }
0x39: {  	vm0 =	vmor vm1, vm0  }
0x3a: {  	v6 =	vsel vm0, $0x1, v1  }
0x3b: {  	(xrf0) =	vadd.scan.msk.s32 $0xffff, v6;
	_ =	sdelay $0x3  }
0x3c: {  	v6 =	vmpcnt.ones.xlane vm0  }
0x3d: {  	s26 =	sor.u32 s7, s4;
	s4 =	simm.s32 $0x10  }
0x3e: {  	s5 =	simm.s32 $0x20;
	s24 =	simm.s32 $0x0;
	v7 =	vor.u32 s26, v0;
	v8 =	vmov s4;
	v6 =	vadd.s32 v5, v6;
	v9, _, _ =	vpop (xrf0)  }
.LBB2_5:
0x3f: {  	p4 =	sne.s32 s5, $0xF0;
	v8 =	vshll.u32 v8, $0x7;
	v9 =	vadd.s32 v9, v5;
	v5 =	vmov v6  }
0x40: {  	v8 =	vor.u32 v2, v8;
	v9 =	vadd.s32 $0xFFFFFFFF, v9  }
0x41: {  	v8 =	vor.u32 v4, v8;
	_ =	sdelay $0x2  }
0x42: {  	v10 =	vor.u32 s24, v7;
	s24 =	smov.u32 s4;
	s4 =	smov.u32 s5  }
0x43: {  	[tilespmem:v9+s21+$0x0] =	vst.idx.msk vm0, v10  }
0x44: {  	v8 =	vld.idx.msk [tilespmem:v8+s18+$0x0], $0xffff;
	_ =	sdelay $0x5  }
0x45: {  	vm0 =	vlt.f32 v8, $0.0e+00;
	vm1 =	vgt.f32 v8, $0.0e+00  }
0x46: {  	vm0 =	vmor vm1, vm0  }
0x47: {  	v8 =	vsel vm0, $0x1, v1;
	v9 =	vmpcnt.ones.xlane vm0  }
0x48: {  	(xrf0) =	vadd.scan.msk.s32 $0xffff, v8  }
0x49: {  	v6 =	vadd.s32 v6, v9  }
.Ltmp1:
0x4a: {  	(pc) =	sbr.rel @p4 .LBB2_5-.Ltmp1, $2  }
0x4b: {  	_ =	sdelay $0x2  }
0x4c: {  	s5 =	sadd.s32 $0x10, s5;
	v8 =	vmov s4;
	v9, _, _ =	vpop (xrf0)  }
0x4d: {  	v8 =	vshll.u32 v8, $0x7;
	v5 =	vadd.s32 v9, v5  }
0x4e: {  	v8 =	vor.u32 v2, v8;
	v5 =	vadd.s32 $0xFFFFFFFF, v5  }
0x4f: {  	v8 =	vor.u32 v4, v8;
	_ =	sdelay $0x2  }
0x50: {  	v9 =	vor.u32 s24, v7  }
0x51: {  	[tilespmem:v5+s21+$0x0] =	vst.idx.msk vm0, v9  }
0x52: {  	v5 =	vld.idx.msk [tilespmem:v8+s18+$0x0], $0xffff;
	_ =	sdelay $0x4  }
0x53: {  	vm0 =	vlt.f32 v5, $0.0e+00;
	vm1 =	vgt.f32 v5, $0.0e+00  }
0x54: {  	vm1 =	vmor vm1, vm0  }
0x55: {  	v5 =	vsel vm1, $0x1, v1  }
0x56: {  	(xrf0) =	vadd.scan.msk.s32 $0xffff, v5;
	_ =	sdelay $0x5  }
0x57: {  	v5, _, _ =	vpop (xrf0)  }
0x58: {  	v5 =	vadd.s32 v5, v6  }
0x59: {  	v5 =	vadd.s32 $0xFFFFFFFF, v5  }
0x5a: {  	s24 =	simm.s32 $0x0  }
0x5b: {  	v8 =	vmov s24  }
0x5c: {  	v8 =	vshll.u32 v8, $0x7  }
0x5d: {  	v7 =	vor.u32 s4, v7;
	v8 =	vor.u32 v2, v8  }
0x5e: {  	s4 =	simm.s32 @p3 $0x400;
	s5 =	simm.s32 @p3 $0x2000;
	s8 =	simm.s32 @p3 $0x80;
	[tilespmem:v5+s21+$0x0] =	vst.idx.msk vm1, v7;
	v5 =	vor.u32 v4, v8  }
0x5f: {  	[tilespmem:s8], [sflag:$0x1] =	stream.strided.gather @p3 [hbm4b:s31+s4], $0x8000, s5, s4, $0x38;
	[tilespmem:$0x10C80] =	vst v63  }
0x60: {  	_ =	swait.ge [sflag:s22], $0x8000  }
0x61: {  	[sflag:s22] =	ssyncset.done $0x0  }
0x62: {  	[sflag:s22] =	ssyncadd.s32 $0xFFFF8000  }
0x63: {  	v5 =	vld.idx.msk [tilespmem:v5+s19+$0x0], $0xffff;
	_ =	sdelay $0x4  }
0x64: {  	vm0 =	vlt.f32 v5, $0.0e+00;
	vm2 =	vgt.f32 v5, $0.0e+00  }
0x65: {  	vm0 =	vmor vm2, vm0  }
0x66: {  	v5 =	vsel vm0, $0x1, v1  }
0x67: {  	(xrf0) =	vadd.scan.msk.s32 $0xffff, v5;
	_ =	sdelay $0x2  }
0x68: {  	v5 =	vmpcnt.ones.xlane vm1  }
0x69: {  	v8 =	vmpcnt.ones.xlane vm0  }
0x6a: {  	s26 =	sor.u32 $0x100, s26;
	s4 =	simm.s32 $0x10;
	v7 =	vadd.s32 v6, v5  }
0x6b: {  	s5 =	simm.s32 $0x20;
	v5 =	vor.u32 s26, v0;
	v6 =	vadd.s32 v7, v8;
	v8 =	vmov s4;
	v9, _, _ =	vpop (xrf0)  }
.LBB2_7:
0x6c: {  	p4 =	sne.s32 s5, $0xF0;
	v8 =	vshll.u32 v8, $0x7;
	v9 =	vadd.s32 v9, v7;
	v7 =	vmov v6  }
0x6d: {  	v8 =	vor.u32 v2, v8;
	v9 =	vadd.s32 $0xFFFFFFFF, v9  }
0x6e: {  	v8 =	vor.u32 v4, v8;
	_ =	sdelay $0x2  }
0x6f: {  	v10 =	vor.u32 s24, v5;
	s24 =	smov.u32 s4;
	s4 =	smov.u32 s5  }
0x70: {  	[tilespmem:v9+s21+$0x0] =	vst.idx.msk vm0, v10  }
0x71: {  	v8 =	vld.idx.msk [tilespmem:v8+s19+$0x0], $0xffff;
	_ =	sdelay $0x5  }
0x72: {  	vm0 =	vlt.f32 v8, $0.0e+00;
	vm1 =	vgt.f32 v8, $0.0e+00  }
0x73: {  	vm0 =	vmor vm1, vm0  }
0x74: {  	v8 =	vsel vm0, $0x1, v1;
	v9 =	vmpcnt.ones.xlane vm0  }
0x75: {  	(xrf0) =	vadd.scan.msk.s32 $0xffff, v8  }
0x76: {  	v6 =	vadd.s32 v6, v9  }
.Ltmp2:
0x77: {  	(pc) =	sbr.rel @p4 .LBB2_7-.Ltmp2, $2  }
0x78: {  	_ =	sdelay $0x2  }
0x79: {  	s5 =	sadd.s32 $0x10, s5;
	v8 =	vmov s4;
	v9, _, _ =	vpop (xrf0)  }
0x7a: {  	v8 =	vshll.u32 v8, $0x7;
	v7 =	vadd.s32 v9, v7  }
0x7b: {  	v8 =	vor.u32 v2, v8;
	v7 =	vadd.s32 $0xFFFFFFFF, v7  }
0x7c: {  	v8 =	vor.u32 v4, v8;
	_ =	sdelay $0x2  }
0x7d: {  	v61 =	vor.u32 s24, v5  }
0x7e: {  	[tilespmem:v7+s21+$0x0] =	vst.idx.msk vm0, v61  }
0x7f: {  	v7 =	vld.idx.msk [tilespmem:v8+s19+$0x0], $0xffff;
	_ =	sdelay $0x4  }
0x80: {  	vm15 =	vlt.f32 v7, $0.0e+00;
	vm1 =	vgt.f32 v7, $0.0e+00  }
0x81: {  	vm0 =	vmor vm1, vm15  }
0x82: {  	v7 =	vsel vm0, $0x1, v1  }
0x83: {  	(xrf0) =	vadd.scan.msk.s32 $0xffff, v7;
	_ =	sdelay $0x5  }
0x84: {  	v7, _, _ =	vpop (xrf0)  }
0x85: {  	v7 =	vadd.s32 v7, v6  }
0x86: {  	v7 =	vadd.s32 $0xFFFFFFFF, v7  }
.Ltmp3:
0x87: {  	_ = 	snop;
	(pc) =	sbr.rel @!p3 .LBB2_10-.Ltmp3, $4  }
0x88: {  	_ = 	snop  }
0x89: {  	v62 =	vmpcnt.ones.xlane vm0  }
0x8a: {  	v63 =	vor.u32 s4, v5  }
0x8b: {  	v5 =	vadd.s32 v6, v62;
	[tilespmem:v7+s21+$0x0] =	vst.idx.msk vm0, v63  }
.Ltmp4:
0x8c: {  	(pc) =	sbr.rel .LBB2_4-.Ltmp4, $3  }
0x8d: {  	_ =	sdelay $0x1  }
0x8e: {  	[tilespmem:s19], [sflag:$0x2] =	stream.strided.gather [hbm4b:s0+s16], $0x8000, s17, s16, $0x38;
	[tilespmem:$0x10C80] =	vst v63  }
0x8f: {  	s4 =	simm.s32 $0x200;
	p3 =	por $0x0, $0x0  }
.LBB2_10:
0x90: {  	(v2sf) =	vpush v5, $0x0;
	_ =	sdelay $0xa  }
.Ltmp5:
0x91: {  	_ = 	snop;
	(pc) =	sbr.rel @p0 .LBB2_11-.Ltmp5, $2  }
0x92: {  	_ =	sdelay $0x2  }
0x93: {  	s0 =	spop (v2sf)  }
0x94: {  	s4 =	simm.s32 $0x0  }
.LBB2_13:
0x95: {  	[sflag:s29] =	ssyncset.done $0x0;
	s2 =	sshll.u32 s3, $0x10  }
0x96: {  	[smem:s2], [sflag:$0x4] =	smem.add.s32 $0x0  }
0x97: {  	_ =	swait.done [sflag:s29]  }
0x98: {  	s2 =	ssyncread [sflag:$0x4];
	_ =	sdelay $0x2  }
0x99: {  	p3 =	sne.s32 s2, $0x0  }
0x9a: {  	p4 =	slt.u32 @!p3 s4, $0xFFFFF  }
0x9b: {  	p3 =	por p3, !p4  }
.Ltmp6:
0x9c: {  	_ = 	snop;
	(pc) =	sbr.rel @!p3 .LBB2_13-.Ltmp6, $3  }
0x9d: {  	_ =	sdelay $0x1  }
0x9e: {  	[sflag:s29] =	ssyncset.s32 $0x0  }
0x9f: {  	[sflag:s29] =	ssyncset.done $0x0;
	s4 =	sadd.s32 $0x1, s4  }
.Ltmp7:
0xa0: {  	(pc) =	sbr.rel @p2 .LBB2_16-.Ltmp7, $4  }
.Ltmp8:
0xa1: {  	(pc) =	sbr.rel @!p2 .LBB2_15-.Ltmp8, $4  }
0xa2: {  	_ = 	snop  }
0xa3: {  	_ = 	snop  }
0xa4: {  	s4 =	sadd.s32 $0xFFFFFFFF, s2  }
0xa5: {  	_ = 	snop  }
.LBB2_11:
0xa6: {  	s2 =	simm.s32 $0x1;
	s4 =	simm.s32 $0x0  }
.LBB2_15:
0xa7: {  	s0 =	sadd.s32 s0, s2;
	[sflag:s23] =	ssyncset.done $0x0;
	s31 =	rddreg [dreg:$0x7]  }
0xa8: {  	[smem:s31], [sflag:$0x5] =	smem.add.s32 s0  }
0xa9: {  	_ =	swait.done [sflag:s23]  }
0xaa: {  	[sflag:s23] =	ssyncset.s32 $0x0  }
0xab: {  	[sflag:s23] =	ssyncset.done $0x0  }
.LBB2_16:
0xac: {  	s0 =	sadd.s32 s4, s12;
	s2 =	simm.s32 $0x0  }
0xad: {  	s31 =	sadd.s32 s11, s4;
	v4 =	vadd.s32 s0, v5;
	v7 =	vmov s2  }
0xae: {  	v6 =	vmov s31;
	v8 =	vor.u32 s2, v0;
	v7 =	vsub.s32 v4, v7  }
0xaf: {  	vm0 =	vlt.s32 v8, v5;
	v8 =	vadd.s32 v6, v8;
	v7 =	vadd.s32 v3, v7  }
0xb0: {  	s0 =	simm.s32 $0x10480;
	v7 =	vsel vm0, v8, v7  }
0xb1: {  	s2 =	simm.s32 $0x10;
	[tilespmem:s0+$0x0] =	vst v7  }
.LBB2_17:
0xb2: {  	p3 =	sne.s32 s2, $0x3F0  }
.Ltmp9:
0xb3: {  	v7 =	vmov s2;
	s4 =	smov.u32 s2;
	s2 =	sadd.s32 $0x10, s2;
	(pc) =	sbr.rel @p3 .LBB2_17-.Ltmp9, $4  }
0xb4: {  	v8 =	vor.u32 s4, v0;
	v7 =	vsub.s32 v4, v7  }
0xb5: {  	vm0 =	vlt.s32 v8, v5;
	v8 =	vadd.s32 v6, v8;
	v7 =	vadd.s32 v3, v7  }
0xb6: {  	s0 =	sadd.s32 $0x10, s0;
	v7 =	vsel vm0, v8, v7  }
0xb7: {  	[tilespmem:s0+$0x0] =	vst v7  }
0xb8: {  	s0 =	rddreg [dreg:$0x3];
	s2 =	simm.s32 $0x10480  }
0xb9: {  	[spmem:s0] =	stream.indirect.scatter [tilespmem:s21], [sflag:$0x3], $0x1, s2, s16, $0xb8;
	[tilespmem:$0x10C80] =	vst v63  }
0xba: {  	s4 =	simm.s32 @!p1 $0x80;
	_ =	swait.ge [sflag:s28], $0x400  }
0xbb: {  	s5 =	simm.s32 @!p1 $0x10;
	s30 =	sadd.s32 $0x1, s30;
	[sflag:s28] =	ssyncset.done $0x0  }
0xbc: {  	s0 =	sshll.u32 @!p1 s3, $0x6;
	s2 =	simm.s32 @!p1 $0x1;
	[sflag:s28] =	ssyncadd.s32 $0xFFFFFC00  }
0xbd: {  	p3 =	sne.s32 s30, s14;
	s0 =	sor.u32 @!p1 $0x1C06, s0;
	[bflag:$0x0] =	sbarrier.arrive $0xFFFF  }
0xbe: {  	[hbm:s13@s4], [sflag:s0] =	dma.strided @!p1 [spmem:s25@s5], $0x200, s2, $0x10   }
.Ltmp10:
0xbf: {  	_ = 	snop;
	(pc) =	sbr.rel @p3 .LBB2_1-.Ltmp10, $4  }
0xc0: {  	s0 =	simm.s32 @!p1 $0x6  }
0xc1: {  	_ =	swait.ge @!p1 [sflag:s0], $0x200  }
0xc2: {  	[sflag:s0] =	ssyncset.done @!p1 $0x0  }
0xc3: {  	[sflag:s0] =	ssyncadd.s32 @!p1 $0xFFFFFE00  }
0xc4: {  	_ =	sfence.sel $0x180000  }
0xc5: {  	[bflag:$0x0] =	sbarrier.arrive $0xFFFF  }
0xc6: {  	_ =	strace $0x90000047  }
0xc7: {  	[bflag:$0x2] =	sbarrier.arrive $0xFFFF  }
0xc8: {  	p0 =	sne.s32 s3, $0x0;
	s0 =	rddreg [dreg:$0x4]  }
0xc9: {  	s0 =	sadd.s32 @!p0 $0x100000, s0  }
0xca: {  	[sflag:s0] =	ssyncadd.tile.s32 @!p0 $0x1;
	_ =	shalt  }
.Lfunc_end2:
_tile_overlayer_lowered:
.L_overlay_start_2:
0xcb: {  	(tag) =	ssettag $0x2  }
0xcc: {  	s0 =	rddreg [dreg:$0x0];
	s2 =	stileid.u32  }
0xcd: {  	s1 =	rddreg [dreg:$0x1];
	p0 =	sne.s32 s2, $0x0  }
0xce: {  	s3 =	rddreg [dreg:$0x2];
	[bflag:$0x3] =	sbarrier.arrive $0xFFFF;
	s2 =	simm.s32 @!p0 $0x1C04  }
0xcf: {  	[timem:s3], [sflag:s2] =	dma.local @!p0 [hbm:s0], s1  }
0xd0: {  	s0 =	simm.s32 @!p0 $0x4  }
0xd1: {  	_ =	swait.ge @!p0 [sflag:s0], s1  }
0xd2: {  	s1 =	ssub.s32 @!p0 $0x0, s1;
	[sflag:s0] =	ssyncset.done @!p0 $0x0  }
0xd3: {  	[sflag:s0] =	ssyncadd.s32 @!p0 s1  }
0xd4: {  	[bflag:$0x3] =	sbarrier.arrive $0xFFFF  }
0xd5: {  	_ =	shalt  }

</sc_bundles>
